<compile_context>
chip_gen: v7x
topology: tpu7x:2x2x1
jax: 0.10.2.dev20260603
libtpu: 0.0.44.dev20260713+nightly
codegen_flags: <defaults>
</compile_context>

<pallas_src>
import functools

import jax
import jax.numpy as jnp
from jax import lax
from jax.experimental import pallas as pl
from jax.experimental.pallas import tpu as pltpu
from jax.experimental.pallas import tpu_sc as plsc

N_NODES = 10000
N_EDGES = 320000
NC = 2
NS = 16
NW = NC * NS
EPW = N_EDGES // NW
BLK = 80
NBLK = EPW // BLK
ROWS_PT = N_NODES // NS
WCHUNK = 25

_mesh = plsc.VectorSubcoreMesh(core_axis_name="c", subcore_axis_name="s")


def _iota16():
    return lax.broadcasted_iota(jnp.int32, (16,), 0)


def _full16(v):
    return jnp.full((16,), v, jnp.int32)


def _relt_body(lu_hbm, src_hbm, t_hbm, out_hbm, lu_v, src_v, t_v, o_v):
    wid = lax.axis_index("s") * NC + lax.axis_index("c")
    base = wid * EPW
    pltpu.sync_copy(lu_hbm, lu_v)
    pltpu.sync_copy(src_hbm.at[pl.ds(base, EPW)], src_v)
    pltpu.sync_copy(t_hbm.at[pl.ds(base, EPW)], t_v)

    def body(g, _):
        sv = src_v[pl.ds(g * 16, 16)]
        lu = plsc.load_gather(lu_v, [sv])
        o_v[pl.ds(g * 16, 16)] = lu - t_v[pl.ds(g * 16, 16)]
        return 0

    lax.fori_loop(0, EPW // 16, body, 0)
    pltpu.sync_copy(o_v, out_hbm.at[pl.ds(base, EPW)])


@functools.partial(jax.jit, donate_argnums=())
def _relt_kernel(last_update, src, t):
    k = pl.kernel(
        _relt_body,
        out_type=jax.ShapeDtypeStruct((N_EDGES,), jnp.float32),
        mesh=_mesh,
        compiler_params=pltpu.CompilerParams(needs_layout_passes=False, use_tc_tiling_on_sc=False),
        scratch_types=[
            pltpu.VMEM((N_NODES,), jnp.float32),
            pltpu.VMEM((EPW,), jnp.int32),
            pltpu.VMEM((EPW,), jnp.float32),
            pltpu.VMEM((EPW,), jnp.float32),
        ],
    )
    return k(last_update, src, t)


def _zero_rows(buf, nrows, W):
    nfull = W // 16
    tail = W % 16
    zv = jnp.zeros((16,), jnp.float32)

    def zrow(r, _):
        for j in range(nfull):
            buf[r, pl.ds(j * 16, 16)] = zv
        if tail:
            rv = jnp.full((16,), r, jnp.int32)
            cv = _full16(nfull * 16) + _iota16()
            plsc.store_scatter(buf, [rv, cv], zv, mask=_iota16() < tail)
        return 0

    lax.fori_loop(0, nrows, zrow, 0)


def _edge_body(H, CH, W, B, q_hbm, k_hbm, v_hbm, e_hbm, src2_hbm, dst2_hbm,
               out_hbm, sv3, dv3, qvr, kr, er, mb, ctab, sem_i, sem_g, sem_s,
               ref):
    D = H * CH
    S = B // 80
    NB = EPW // B
    c = lax.axis_index("c")
    s = lax.axis_index("s")
    wid = s * NC + c
    rbase = wid * (EPW // 80)
    scale = jnp.float32(1.0 / (CH ** 0.5))

    for cc in range(16):
        ctab[cc, pl.ds(0, 16)] = (_iota16() + cc) & 15

    _zero_rows(mb, B, W)
    zi = jnp.zeros((16,), jnp.int32)
    for sl in range(2):
        for j in range(S):
            for g in range(5):
                sv3[sl, j, pl.ds(g * 16, 16)] = zi
                dv3[sl, j, pl.ds(g * 16, 16)] = zi

    tbase = s * ROWS_PT

    def zchunk(j, _):
        pltpu.sync_copy(mb.at[pl.ds(0, WCHUNK)],
                        ref.at[pl.ds(tbase + j * WCHUNK, WCHUNK)])
        return 0
    lax.fori_loop(0, ROWS_PT // WCHUNK, zchunk, 0)
    plsc.subcore_barrier()

    pltpu.async_copy(src2_hbm.at[pl.ds(rbase, S)], sv3.at[0], sem_i)
    pltpu.async_copy(dst2_hbm.at[pl.ds(rbase, S)], dv3.at[0], sem_i)
    for j in range(S):
        pltpu.async_copy(mb.at[pl.ds(j * 80, 80)], ref.at[dv3.at[1, j]],
                         sem_s, add=True)

    def blk_body(b, _):
        slot = lax.rem(b, 2)
        nslot = 1 - slot
        rb = rbase + b * S
        rb_next = rbase + jnp.minimum(b + 1, NB - 1) * S
        ebase_b = wid * EPW + b * B

        pltpu.make_async_copy(src2_hbm.at[pl.ds(rb, S)],
                              sv3.at[slot], sem_i).wait()
        pltpu.make_async_copy(dst2_hbm.at[pl.ds(rb, S)],
                              dv3.at[slot], sem_i).wait()
        for j in range(S):
            pltpu.async_copy(q_hbm.at[dv3.at[slot, j]],
                             qvr.at[pl.ds(j * 80, 80)], sem_g)
            pltpu.async_copy(k_hbm.at[sv3.at[slot, j]],
                             kr.at[pl.ds(j * 80, 80)], sem_g)
        pltpu.async_copy(e_hbm.at[pl.ds(ebase_b, B)], er, sem_g)
        for j in range(S):
            pltpu.make_async_copy(mb.at[pl.ds(j * 80, 80)],
                                  ref.at[dv3.at[nslot, j]], sem_s).wait()
        pltpu.async_copy(src2_hbm.at[pl.ds(rb_next, S)], sv3.at[nslot], sem_i)
        pltpu.async_copy(dst2_hbm.at[pl.ds(rb_next, S)], dv3.at[nslot], sem_i)
        for j in range(S):
            pltpu.make_async_copy(q_hbm.at[dv3.at[slot, j]],
                                  qvr.at[pl.ds(j * 80, 80)], sem_g).wait()
            pltpu.make_async_copy(k_hbm.at[sv3.at[slot, j]],
                                  kr.at[pl.ds(j * 80, 80)], sem_g).wait()
        pltpu.make_async_copy(e_hbm.at[pl.ds(ebase_b, B)], er, sem_g).wait()

        @plsc.parallel_loop(0, B // 16)
        def grp1(g):
            ev = _iota16() + g * 16

            @plsc.parallel_loop(0, H, unroll=2)
            def h1(h):
                accs = [jnp.zeros((16,), jnp.float32) for _ in range(4)]
                hc0 = h * CH
                for cc in range(CH):
                    col = _full16(hc0) + ctab[cc, pl.ds(0, 16)]
                    qv = plsc.load_gather(qvr, [ev, col])
                    kv = plsc.load_gather(kr, [ev, col])
                    evv = plsc.load_gather(er, [ev, col])
                    accs[cc % 4] = accs[cc % 4] + qv * (kv + evv)
                acc = (accs[0] + accs[1]) + (accs[2] + accs[3])
                ex = jnp.exp(acc * scale)
                plsc.store_scatter(mb, [ev, _full16(D) + h], ex)

        for j in range(S):
            pltpu.async_copy(v_hbm.at[sv3.at[slot, j]],
                             qvr.at[pl.ds(j * 80, 80)], sem_g)
        for j in range(S):
            pltpu.make_async_copy(v_hbm.at[sv3.at[slot, j]],
                                  qvr.at[pl.ds(j * 80, 80)], sem_g).wait()

        @plsc.parallel_loop(0, B // 16)
        def grp2(g):
            ev = _iota16() + g * 16

            @plsc.parallel_loop(0, H, unroll=2)
            def h2(h):
                exv = plsc.load_gather(mb, [ev, _full16(D) + h])
                hc0 = h * CH
                for cc in range(CH):
                    col = _full16(hc0) + ctab[cc, pl.ds(0, 16)]
                    vv = plsc.load_gather(qvr, [ev, col])
                    evv = plsc.load_gather(er, [ev, col])
                    plsc.store_scatter(mb, [ev, col], (vv + evv) * exv)

        for j in range(S):
            pltpu.async_copy(mb.at[pl.ds(j * 80, 80)], ref.at[dv3.at[slot, j]],
                             sem_s, add=True)
        return 0

    lax.fori_loop(0, NB, blk_body, 0)
    for j in range(S):
        pltpu.make_async_copy(mb.at[pl.ds(j * 80, 80)],
                              ref.at[dv3.at[0, j]], sem_s).wait()
    pltpu.make_async_copy(src2_hbm.at[pl.ds(rbase, S)], sv3.at[0],
                          sem_i).wait()
    pltpu.make_async_copy(dst2_hbm.at[pl.ds(rbase, S)], dv3.at[0],
                          sem_i).wait()
    plsc.subcore_barrier()

    def wchunk(j, _):
        r0 = s * ROWS_PT + j * WCHUNK
        pltpu.sync_copy(ref.at[pl.ds(r0, WCHUNK)], mb.at[pl.ds(0, WCHUNK)])
        pltpu.sync_copy(mb.at[pl.ds(0, WCHUNK)], out_hbm.at[c, pl.ds(r0, WCHUNK)])
        return 0
    lax.fori_loop(0, ROWS_PT // WCHUNK, wchunk, 0)


def _edge_pass(q, k, v, e, src2, dst2, H, CH, W, B):
    D = H * CH
    S = B // 80
    body = functools.partial(_edge_body, H, CH, W, B)
    kern = pl.kernel(
        body,
        out_type=jax.ShapeDtypeStruct((NC, N_NODES, W), jnp.float32),
        mesh=_mesh,
        compiler_params=pltpu.CompilerParams(needs_layout_passes=False, use_tc_tiling_on_sc=False),
        scratch_types=[
            pltpu.VMEM((2, S, 80), jnp.int32),
            pltpu.VMEM((2, S, 80), jnp.int32),
            pltpu.VMEM((B, D), jnp.float32),
            pltpu.VMEM((B, D), jnp.float32),
            pltpu.VMEM((B, D), jnp.float32),
            pltpu.VMEM((B, W), jnp.float32),
            pltpu.VMEM((16, 16), jnp.int32),
            pltpu.SemaphoreType.DMA,
            pltpu.SemaphoreType.DMA,
            pltpu.SemaphoreType.DMA,
            pltpu.VMEM_SHARED((N_NODES, W), jnp.float32),
        ],
    )
    return kern(q, k, v, e, src2, dst2)


def _node_proj_body(x_ref, w_ref, b_ref, o_ref):
    o_ref[...] = jax.lax.dot_general(
        x_ref[...], w_ref[...], (((1,), (1,)), ((), ())),
        preferred_element_type=jnp.float32) + b_ref[...]


def _node_proj(x, wcat, bcat, bn, bd):
    n, d_in = x.shape
    d_out = wcat.shape[0]
    return pl.pallas_call(
        _node_proj_body,
        grid=(n // bn,),
        in_specs=[
            pl.BlockSpec((bn, d_in), lambda i: (i, 0)),
            pl.BlockSpec((d_out, d_in), lambda i: (0, 0)),
            pl.BlockSpec((1, d_out), lambda i: (0, 0)),
        ],
        out_specs=pl.BlockSpec((bn, d_out), lambda i: (i, 0)),
        out_shape=jax.ShapeDtypeStruct((n, d_out), jnp.float32),
    )(x, wcat, bcat)


def _fast_cos(x):
    k = jnp.round(x * jnp.float32(0.15915494309189535))
    y = x - k * jnp.float32(6.28125) - k * jnp.float32(1.9353071795864769e-3)
    y2 = y * y
    p = jnp.float32(1 / 20922789888000.0)
    p = jnp.float32(1 / 87178291200.0) - y2 * p
    p = jnp.float32(1 / 479001600.0) - y2 * p
    p = jnp.float32(1 / 3628800.0) - y2 * p
    p = jnp.float32(1 / 40320.0) - y2 * p
    p = jnp.float32(1 / 720.0) - y2 * p
    p = jnp.float32(1 / 24.0) - y2 * p
    p = jnp.float32(0.5) - y2 * p
    return 1.0 - y2 * p


def _edge_feat_body(rt_ref, msg_ref, wt_ref, bt_ref, we1_ref, we2_ref,
                    e1_ref, e2_ref):
    enc = _fast_cos(rt_ref[...] * wt_ref[...] + bt_ref[...])
    ea = jnp.concatenate([enc, msg_ref[...]], axis=1)
    e1_ref[...] = jax.lax.dot_general(
        ea, we1_ref[...], (((1,), (1,)), ((), ())),
        preferred_element_type=jnp.float32)
    e2_ref[...] = jax.lax.dot_general(
        ea, we2_ref[...], (((1,), (1,)), ((), ())),
        preferred_element_type=jnp.float32)


def _edge_feat(rel_t, msg, wt_row, bt_row, we1, we2, be):
    e = rel_t.shape[0]
    return pl.pallas_call(
        _edge_feat_body,
        grid=(e // be,),
        in_specs=[
            pl.BlockSpec((be, 1), lambda i: (i, 0)),
            pl.BlockSpec((be, 16), lambda i: (i, 0)),
            pl.BlockSpec((1, 16), lambda i: (0, 0)),
            pl.BlockSpec((1, 16), lambda i: (0, 0)),
            pl.BlockSpec((128, 32), lambda i: (0, 0)),
            pl.BlockSpec((16, 32), lambda i: (0, 0)),
        ],
        out_specs=[
            pl.BlockSpec((be, 128), lambda i: (i, 0)),
            pl.BlockSpec((be, 16), lambda i: (i, 0)),
        ],
        out_shape=[
            jax.ShapeDtypeStruct((e, 128), jnp.float32),
            jax.ShapeDtypeStruct((e, 16), jnp.float32),
        ],
    )(rel_t, msg, wt_row, bt_row, we1, we2)


def _mid_body(acc_ref, skip_ref, w2_ref, b2_ref, o_ref):
    a0 = acc_ref[0]
    a1 = acc_ref[1]
    num = a0[:, :128] + a1[:, :128]
    den = a0[:, 128:136] + a1[:, 128:136]
    sel = (lax.broadcasted_iota(jnp.int32, (8, 128), 1) // 16
           == lax.broadcasted_iota(jnp.int32, (8, 128), 0)).astype(jnp.float32)
    denb = jax.lax.dot_general(den, sel, (((1,), (0,)), ((), ())),
                               preferred_element_type=jnp.float32)
    h = jax.nn.relu(num / (denb + 1e-16) + skip_ref[...])
    o_ref[...] = jax.lax.dot_general(
        h, w2_ref[...], (((1,), (1,)), ((), ())),
        preferred_element_type=jnp.float32) + b2_ref[...]


def _mid(acc, skip1, w2cat, b2cat, bn):
    return pl.pallas_call(
        _mid_body,
        grid=(N_NODES // bn,),
        in_specs=[
            pl.BlockSpec((2, bn, 136), lambda i: (0, i, 0)),
            pl.BlockSpec((bn, 128), lambda i: (i, 0)),
            pl.BlockSpec((64, 128), lambda i: (0, 0)),
            pl.BlockSpec((1, 64), lambda i: (0, 0)),
        ],
        out_specs=pl.BlockSpec((bn, 64), lambda i: (i, 0)),
        out_shape=jax.ShapeDtypeStruct((N_NODES, 64), jnp.float32),
    )(acc, skip1, w2cat, b2cat)


def _fin_body(acc_ref, skip_ref, o_ref):
    a0 = acc_ref[0]
    a1 = acc_ref[1]
    num = a0[:, :16] + a1[:, :16]
    den = a0[:, 16:17] + a1[:, 16:17]
    o_ref[...] = jax.nn.relu(num / (den + 1e-16) + skip_ref[...])


def _fin(acc2, skip2, bn):
    return pl.pallas_call(
        _fin_body,
        grid=(N_NODES // bn,),
        in_specs=[
            pl.BlockSpec((2, bn, 24), lambda i: (0, i, 0)),
            pl.BlockSpec((bn, 16), lambda i: (i, 0)),
        ],
        out_specs=pl.BlockSpec((bn, 16), lambda i: (i, 0)),
        out_shape=jax.ShapeDtypeStruct((N_NODES, 16), jnp.float32),
    )(acc2, skip2)


def kernel(x, last_update, edge_index, t, msg, Wt, bt, Wq1, bq1, Wk1, bk1,
           Wv1, bv1, We1, Wskip1, bskip1, Wq2, bq2, Wk2, bk2, Wv2, bv2, We2,
           Wskip2, bskip2):
    src = edge_index[0]
    dst = edge_index[1]
    src2 = src.reshape(N_EDGES // 80, 80)
    dst2 = dst.reshape(N_EDGES // 80, 80)

    rel_t = _relt_kernel(last_update, src, t)

    e1, e2 = _edge_feat(rel_t.reshape(N_EDGES, 1), msg,
                        Wt.reshape(1, 16), bt.reshape(1, 16), We1, We2, 4000)
    wcat1 = jnp.concatenate([Wq1, Wk1, Wv1, Wskip1], axis=0)
    bcat1 = jnp.concatenate([bq1, bk1, bv1, bskip1]).reshape(1, 512)
    proj1 = _node_proj(x, wcat1, bcat1, 1000, 512)
    q1 = proj1[:, 0:128]
    k1 = proj1[:, 128:256]
    v1 = proj1[:, 256:384]
    skip1 = proj1[:, 384:512]

    acc1 = _edge_pass(q1, k1, v1, e1, src2, dst2, 8, 16, 136, 80)

    w2cat = jnp.concatenate([Wq2, Wk2, Wv2, Wskip2], axis=0)
    b2cat = jnp.concatenate([bq2, bk2, bv2, bskip2]).reshape(1, 64)
    proj2 = _mid(acc1, skip1, w2cat, b2cat, 1000)
    q2 = proj2[:, 0:16]
    k2 = proj2[:, 16:32]
    v2 = proj2[:, 32:48]
    skip2 = proj2[:, 48:64]

    acc2 = _edge_pass(q2, k2, v2, e2, src2, dst2, 1, 16, 24, 400)

    return _fin(acc2, skip2, 1000)

# --- scband reference (transcript-rebuilt; emitter-appended) ---
"""Pipeline reference for scband-graph-attention-embedding-48842368090474 (READ-ONLY COPY).

The authoritative reference and input builder live on the scoring server;
editing this copy changes nothing except your own understanding.
"""

import jax, jax.numpy as jnp
import numpy as np

N = 10000
E = 320000
D_IN = 128
H1 = 8
C = 16
MSG_DIM = 16
TIME_DIM = 16
ED = MSG_DIM + TIME_DIM


def _lin(k, out_d, in_d):
    return (jax.random.normal(k, (out_d, in_d), jnp.float32) / np.sqrt(in_d)).astype(jnp.float32)


def setup_inputs(seed: int = 0):
    key = jax.random.key(seed)
    ks = jax.random.split(key, 32)
    inp = {}
    inp["x"] = jax.random.normal(ks[0], (N, D_IN), jnp.float32)
    inp["last_update"] = jax.random.uniform(ks[1], (N,), jnp.float32) * 100.0
    inp["edge_index"] = jax.random.randint(ks[2], (2, E), 0, N, dtype=jnp.int32)
    inp["t"] = jax.random.uniform(ks[3], (E,), jnp.float32) * 100.0
    inp["msg"] = jax.random.normal(ks[4], (E, MSG_DIM), jnp.float32)
    inp["Wt"] = _lin(ks[5], TIME_DIM, 1)
    inp["bt"] = jnp.zeros((TIME_DIM,), jnp.float32)
    inp["Wq1"] = _lin(ks[6], H1 * C, D_IN); inp["bq1"] = jnp.zeros((H1 * C,), jnp.float32)
    inp["Wk1"] = _lin(ks[7], H1 * C, D_IN); inp["bk1"] = jnp.zeros((H1 * C,), jnp.float32)
    inp["Wv1"] = _lin(ks[8], H1 * C, D_IN); inp["bv1"] = jnp.zeros((H1 * C,), jnp.float32)
    inp["We1"] = _lin(ks[9], H1 * C, ED)
    inp["Wskip1"] = _lin(ks[10], H1 * C, D_IN); inp["bskip1"] = jnp.zeros((H1 * C,), jnp.float32)
    inp["Wq2"] = _lin(ks[11], C, H1 * C); inp["bq2"] = jnp.zeros((C,), jnp.float32)
    inp["Wk2"] = _lin(ks[12], C, H1 * C); inp["bk2"] = jnp.zeros((C,), jnp.float32)
    inp["Wv2"] = _lin(ks[13], C, H1 * C); inp["bv2"] = jnp.zeros((C,), jnp.float32)
    inp["We2"] = _lin(ks[14], C, ED)
    inp["Wskip2"] = _lin(ks[15], C, H1 * C); inp["bskip2"] = jnp.zeros((C,), jnp.float32)
    return inp


def _tconv(x, src, dst, edge_attr, Wq, bq, Wk, bk, Wv, bv, We, Wskip, bskip, H, Ch, concat, n_nodes):
    q = (x @ Wq.T + bq).reshape(n_nodes, H, Ch)
    k = (x @ Wk.T + bk).reshape(n_nodes, H, Ch)
    v = (x @ Wv.T + bv).reshape(n_nodes, H, Ch)
    e = (edge_attr @ We.T).reshape(-1, H, Ch)
    ke = k[src] + e
    alpha = (q[dst] * ke).sum(-1) / np.sqrt(Ch)
    amax = jax.ops.segment_max(alpha, dst, num_segments=n_nodes)
    amax = jnp.where(jnp.isfinite(amax), amax, 0.0)
    ex = jnp.exp(alpha - amax[dst])
    denom = jax.ops.segment_sum(ex, dst, num_segments=n_nodes)
    a = ex / (denom[dst] + 1e-16)
    m = (v[src] + e) * a[..., None]
    out = jax.ops.segment_sum(m, dst, num_segments=n_nodes)
    out = out.reshape(n_nodes, H * Ch) if concat else out.mean(axis=1)
    return out + x @ Wskip.T + bskip


def reference(x, last_update, edge_index, t, msg, Wt, bt, Wq1, bq1, Wk1, bk1, Wv1, bv1, We1, Wskip1, bskip1, Wq2, bq2, Wk2, bk2, Wv2, bv2, We2, Wskip2, bskip2):
    src = edge_index[0]
    dst = edge_index[1]
    rel_t = last_update[src] - t
    rel_t_enc = jnp.cos(rel_t[:, None] @ Wt.T + bt)
    edge_attr = jnp.concatenate([rel_t_enc, msg], axis=-1)
    h = jax.nn.relu(_tconv(x, src, dst, edge_attr, Wq1, bq1, Wk1, bk1, Wv1, bv1, We1, Wskip1, bskip1, H1, C, True, N))
    out = jax.nn.relu(_tconv(h, src, dst, edge_attr, Wq2, bq2, Wk2, bk2, Wv2, bv2, We2, Wskip2, bskip2, 1, C, False, N))
    return out

if __name__ == "__main__":
    import jax
    _d = setup_inputs()
    print(jax.jit(kernel)(*tuple(_d.values())))

</pallas_src>

<mosaic_0001>
#map = affine_map<(d0, d1) -> (0)>
module attributes {stable_mosaic.version = 14 : i64} {
  func.func @_relt_body(%arg0: i32, %arg1: i32, %arg2: memref<10000xf32, #tpu.memory_space<hbm>>, %arg3: memref<320000xi32, #tpu.memory_space<hbm>>, %arg4: memref<320000xf32, #tpu.memory_space<hbm>>, %arg5: memref<320000xf32, #tpu.memory_space<hbm>>, %arg6: memref<10000xf32, #tpu.memory_space<vmem>>, %arg7: memref<10000xi32, #tpu.memory_space<vmem>>, %arg8: memref<10000xf32, #tpu.memory_space<vmem>>, %arg9: memref<10000xf32, #tpu.memory_space<vmem>>) attributes {dimension_semantics = [#tpu.dimension_semantics<core_parallel>, #tpu.dimension_semantics<subcore_parallel>], iteration_bounds = array<i64: 2, 16>, scalar_prefetch = 0 : i64, scratch_operands = 4 : i64, tpu.core_type = #tpu.core_type<sc_vector_subcore>, window_params = [{transform_indices = #map}, {transform_indices = #map}, {transform_indices = #map}, {transform_indices = #map}]} {
    %mul3A = arith.constant 2 : i32
    %mul3A_0 = arith.muli %arg1, %mul3A : i32
    %add3A = arith.addi %mul3A_0, %arg0 : i32
    %mul3A_1 = arith.constant 10000 : i32
    %mul3A_2 = arith.muli %add3A, %mul3A_1 : i32
    "tpu.region"() ({
      %run_scoped3A = tpu.sem_alloc : memref<!tpu.dma_semaphore, #tpu.memory_space<semaphore_mem>>
      tpu.enqueue_dma source(%arg2 : memref<10000xf32, #tpu.memory_space<hbm>>) target(%arg6 : memref<10000xf32, #tpu.memory_space<vmem>>) target_semaphore(%run_scoped3A : memref<!tpu.dma_semaphore, #tpu.memory_space<semaphore_mem>>)
      tpu.wait_dma2 semaphore(%run_scoped3A : memref<!tpu.dma_semaphore, #tpu.memory_space<semaphore_mem>>) src(%arg2 : memref<10000xf32, #tpu.memory_space<hbm>>) dst(%arg6 : memref<10000xf32, #tpu.memory_space<vmem>>)
      tpu.yield
    }) : () -> ()
    "tpu.region"() ({
      %run_scoped3A = tpu.sem_alloc : memref<!tpu.dma_semaphore, #tpu.memory_space<semaphore_mem>>
      %dma_start3A = tpu.memref_slice %arg3[%mul3A_2] : memref<320000xi32, #tpu.memory_space<hbm>> -> memref<10000xi32, #tpu.memory_space<hbm>>
      %dma_start3A_9 = tpu.memref_slice %arg3[%mul3A_2] : memref<320000xi32, #tpu.memory_space<hbm>> -> memref<10000xi32, #tpu.memory_space<hbm>>
      tpu.enqueue_dma source(%dma_start3A_9 : memref<10000xi32, #tpu.memory_space<hbm>>) target(%arg7 : memref<10000xi32, #tpu.memory_space<vmem>>) target_semaphore(%run_scoped3A : memref<!tpu.dma_semaphore, #tpu.memory_space<semaphore_mem>>)
      %dma_wait3A = tpu.memref_slice %arg3[%mul3A_2] : memref<320000xi32, #tpu.memory_space<hbm>> -> memref<10000xi32, #tpu.memory_space<hbm>>
      %dma_wait3A_10 = tpu.memref_slice %arg3[%mul3A_2] : memref<320000xi32, #tpu.memory_space<hbm>> -> memref<10000xi32, #tpu.memory_space<hbm>>
      tpu.wait_dma2 semaphore(%run_scoped3A : memref<!tpu.dma_semaphore, #tpu.memory_space<semaphore_mem>>) src(%dma_wait3A_10 : memref<10000xi32, #tpu.memory_space<hbm>>) dst(%arg7 : memref<10000xi32, #tpu.memory_space<vmem>>)
      tpu.yield
    }) : () -> ()
    "tpu.region"() ({
      %run_scoped3A = tpu.sem_alloc : memref<!tpu.dma_semaphore, #tpu.memory_space<semaphore_mem>>
      %dma_start3A = tpu.memref_slice %arg4[%mul3A_2] : memref<320000xf32, #tpu.memory_space<hbm>> -> memref<10000xf32, #tpu.memory_space<hbm>>
      %dma_start3A_9 = tpu.memref_slice %arg4[%mul3A_2] : memref<320000xf32, #tpu.memory_space<hbm>> -> memref<10000xf32, #tpu.memory_space<hbm>>
      tpu.enqueue_dma source(%dma_start3A_9 : memref<10000xf32, #tpu.memory_space<hbm>>) target(%arg8 : memref<10000xf32, #tpu.memory_space<vmem>>) target_semaphore(%run_scoped3A : memref<!tpu.dma_semaphore, #tpu.memory_space<semaphore_mem>>)
      %dma_wait3A = tpu.memref_slice %arg4[%mul3A_2] : memref<320000xf32, #tpu.memory_space<hbm>> -> memref<10000xf32, #tpu.memory_space<hbm>>
      %dma_wait3A_10 = tpu.memref_slice %arg4[%mul3A_2] : memref<320000xf32, #tpu.memory_space<hbm>> -> memref<10000xf32, #tpu.memory_space<hbm>>
      tpu.wait_dma2 semaphore(%run_scoped3A : memref<!tpu.dma_semaphore, #tpu.memory_space<semaphore_mem>>) src(%dma_wait3A_10 : memref<10000xf32, #tpu.memory_space<hbm>>) dst(%arg8 : memref<10000xf32, #tpu.memory_space<vmem>>)
      tpu.yield
    }) : () -> ()
    %scan3A = arith.constant 0 : i32
    %scan3A_3 = arith.constant 0 : i32
    %scan3A_4 = arith.constant 625 : i32
    %scan3A_5 = arith.addi %scan3A_3, %scan3A_4 : i32
    %scan3A_6 = arith.constant 1 : i32
    %scan3A_7 = scf.for %scan3A_9 = %scan3A_3 to %scan3A_5 step %scan3A_6 iter_args(%scan3A_10 = %scan3A) -> (i32)  : i32 {
      %mul3A_11 = arith.constant 16 : i32
      %mul3A_12 = arith.muli %scan3A_9, %mul3A_11 : i32
      %get3A = arith.index_cast %mul3A_12 : i32 to index
      %get3A_13 = tpu.vector_load %arg7[%get3A] {strides = array<i32>} : memref<10000xi32, #tpu.memory_space<vmem>>, vector<16xi32>,
      %gather3A = tpu.vector_load_idx %arg6[%get3A_13] : memref<10000xf32, #tpu.memory_space<vmem>>[vector<16xi32>], vector<16xf32>,
      %mul3A_14 = arith.constant 16 : i32
      %mul3A_15 = arith.muli %scan3A_9, %mul3A_14 : i32
      %get3A_16 = arith.index_cast %mul3A_15 : i32 to index
      %get3A_17 = tpu.vector_load %arg8[%get3A_16] {strides = array<i32>} : memref<10000xf32, #tpu.memory_space<vmem>>, vector<16xf32>,
      %sub3A = arith.subf %gather3A, %get3A_17 : vector<16xf32>
      %mul3A_18 = arith.constant 16 : i32
      %mul3A_19 = arith.muli %scan3A_9, %mul3A_18 : i32
      %swap3A = arith.index_cast %mul3A_19 : i32 to index
      %swap3A_20 = tpu.vector_load %arg9[%swap3A] {strides = array<i32>} : memref<10000xf32, #tpu.memory_space<vmem>>, vector<16xf32>,
      tpu.vector_store %arg9[%swap3A], %sub3A {strides = array<i32>} : memref<10000xf32, #tpu.memory_space<vmem>>, vector<16xf32>,
      %scan3A_21 = arith.constant 0 : i32
      scf.yield %scan3A_21 : i32
    }
    %scan3A_8 = arith.constant 625 : i32
    "tpu.region"() ({
      %run_scoped3A = tpu.sem_alloc : memref<!tpu.dma_semaphore, #tpu.memory_space<semaphore_mem>>
      %dma_start3A = tpu.memref_slice %arg5[%mul3A_2] : memref<320000xf32, #tpu.memory_space<hbm>> -> memref<10000xf32, #tpu.memory_space<hbm>>
      %dma_start3A_9 = tpu.memref_slice %arg5[%mul3A_2] : memref<320000xf32, #tpu.memory_space<hbm>> -> memref<10000xf32, #tpu.memory_space<hbm>>
      tpu.enqueue_dma source(%arg9 : memref<10000xf32, #tpu.memory_space<vmem>>) target(%dma_start3A_9 : memref<10000xf32, #tpu.memory_space<hbm>>) target_semaphore(%run_scoped3A : memref<!tpu.dma_semaphore, #tpu.memory_space<semaphore_mem>>)
      %dma_wait3A = tpu.memref_slice %arg5[%mul3A_2] : memref<320000xf32, #tpu.memory_space<hbm>> -> memref<10000xf32, #tpu.memory_space<hbm>>
      %dma_wait3A_10 = tpu.memref_slice %arg5[%mul3A_2] : memref<320000xf32, #tpu.memory_space<hbm>> -> memref<10000xf32, #tpu.memory_space<hbm>>
      tpu.wait_dma2 semaphore(%run_scoped3A : memref<!tpu.dma_semaphore, #tpu.memory_space<semaphore_mem>>) src(%arg9 : memref<10000xf32, #tpu.memory_space<vmem>>) dst(%dma_wait3A_10 : memref<10000xf32, #tpu.memory_space<hbm>>)
      tpu.yield
    }) : () -> ()
    return
  }
}

</mosaic_0001>

<sc_bundles>
// kernel: _relt_kernel.3.cloned.1.call-start
scs
__scs_entry_jumppad:
0x0: {  	(pc) =	sbr.rel $0x88, $3  }
0x1: {  	(tag) =	ssettag $0x0;
	lr =	simm.s32 $0x1  }
0x2: {  	[smem:$0x3F9E] =	sst lr;
	_ =	strace $0xD0000000  }
0x3: {  	_ = 	snop  }
0x4: {  	_ = 	snop  }
0x5: {  	_ = 	snop  }
0x6: {  	_ = 	snop  }
0x7: {  	_ = 	snop  }
__scs_overlays_trampoline_lowered:
0x8: {  	[smem:$0x3FAD] =	sst s0  }
0x9: {  	[smem:$0x3FAE] =	sst s1  }
0xa: {  	[smem:$0x3FAF] =	sst s2  }
0xb: {  	[smem:$0x3FB0] =	sst s3  }
0xc: {  	[smem:$0x3FB1] =	sst s4  }
0xd: {  	[smem:$0x3FB2] =	sst s5  }
0xe: {  	[smem:$0x3FB3] =	sst s6  }
0xf: {  	[smem:$0x3FB4] =	sst s7  }
0x10: {  	[smem:$0x3FB5] =	sst s8  }
0x11: {  	[smem:$0x3FB6] =	sst s9;
	s0 =	simm.s32 @!p0 $0x0  }
0x12: {  	s1 =	sld [smem:$0x3F9C];
	s0 =	simm.s32 @p0 $0x1  }
0x13: {  	[smem:$0x3FB7] =	sst s0;
	s0 =	simm.s32 @!p1 $0x0  }
0x14: {  	s2 =	sld [smem:$0x3F9B];
	s0 =	simm.s32 @p1 $0x1  }
0x15: {  	[smem:$0x3FB8] =	sst s0;
	s0 =	simm.s32 @!p2 $0x0  }
0x16: {  	s3 =	sld [smem:$0x3FDB];
	s0 =	simm.s32 @p2 $0x1  }
0x17: {  	s4 =	simm.s32 $0x1BF5;
	[smem:$0x3FBA] =	sst s0  }
0x18: {  	s0 =	sld [smem:$0x3F9D];
	_ =	swait.ge [sflag:s4], $0x0  }
0x19: {  	s7 =	sld [smem:$0x3F9E]  }
0x1a: {  	s8 =	sadd.s32 $0xFFFFE003, lr  }
0x1b: {  	s9 =	sadd.s32 $0xFFFFFEF7, lr;
	s5 =	simm.s32 $0xFFFFFFFF;
	p2 =	slt.u32 s8, $0xFFFFF086  }
0x1c: {  	p1 =	slt.u32 s9, $0xF7A;
	s5 =	simm.s32 @!p2 $0x0  }
0x1d: {  	s5 =	simm.s32 @p1 $0x1;
	p0 =	seq.s32 s7, s2  }
0x1e: {  	s7 =	smul.u32 @!p0 $0xF7A, s2;
	p2 =	seq.s32 @!p0 s5, $0x0  }
0x1f: {  	s9 =	smul.u32 $0xF7A, s1;
	s8 =	simm.s32 @!p0 $0x1BF5;
	p2 =	por !p2, p0  }
0x20: {  	[sflag:s8] =	ssyncset.s32 @!p0 $0xFFFFF086;
	s6 =	sadd.s32 @!p0 s3, s7;
	s7 =	simm.s32 @!p0 $0x108  }
0x21: {  	s3 =	sadd.s32 s3, s9;
	s6 =	sadd.s32 @!p0 $0x88, s6;
	s7 =	simm.s32 @p2 $0x1082  }
0x22: {  	[simem:s7], [sflag:s8] =	dma.local @!p0 [hbm:s6], $0xF7A  }
0x23: {  	s9 =	sor.u32 $0xD0000000, s2;
	s6 =	simm.s32 $0x108;
	_ =	swait.ge @!p0 [sflag:s8], $0x0  }
0x24: {  	s3 =	sadd.s32 $0x88, s3;
	s6 =	simm.s32 @!p1 $0x1082;
	[sflag:s4] =	ssyncset.s32 $0xFFFFF086  }
0x25: {  	[simem:s6], [sflag:s4] =	dma.local [hbm:s3], $0xF7A  }
0x26: {  	[smem:$0x3F9E] =	sst s1;
	(tag) =	ssettag s2;
	_ =	strace s9  }
0x27: {  	s1 =	sld [smem:$0x3FAE]  }
0x28: {  	s2 =	sld [smem:$0x3FAF]  }
0x29: {  	s4 =	sld [smem:$0x3FB1]  }
0x2a: {  	p0 =	seq.s32 s5, $0x0;
	s5 =	sld [smem:$0x3FB2]  }
0x2b: {  	s6 =	sld [smem:$0x3FB3]  }
0x2c: {  	s7 =	sld [smem:$0x3FB4]  }
0x2d: {  	s3 =	simm.s32 $0x108;
	s8 =	sld [smem:$0x3FB5]  }
0x2e: {  	s3 =	simm.s32 @!p0 $0x1082;
	s9 =	sld [smem:$0x3FB6]  }
0x2f: {  	lr =	sadd.s32 s0, s3;
	s0 =	sld [smem:$0x3FAD]  }
0x30: {  	s3 =	sld [smem:$0x3FB0]  }
0x31: {  	[smem:$0x3FB9] =	sst s10  }
0x32: {  	s10 =	sld [smem:$0x3FB7];
	_ =	sdelay $0x3  }
0x33: {  	p0 =	seq.s32 s10, $0x1;
	s10 =	sld [smem:$0x3FB9];
	_ =	sdelay $0x3  }
0x34: {  	[smem:$0x3FB9] =	sst s10  }
0x35: {  	s10 =	sld [smem:$0x3FB8];
	_ =	sdelay $0x3  }
0x36: {  	p1 =	seq.s32 s10, $0x1;
	s10 =	sld [smem:$0x3FB9];
	_ =	sdelay $0x3  }
0x37: {  	[smem:$0x3FB9] =	sst s10  }
0x38: {  	s10 =	sld [smem:$0x3FBA]  }
0x39: {  	_ = 	snop;
	(pc) =	sbr.ind lr, $3  }
0x3a: {  	_ = 	snop  }
0x3b: {  	_ = 	snop  }
0x3c: {  	p2 =	seq.s32 s10, $0x1;
	s10 =	sld [smem:$0x3FB9]  }
0x3d: {  	_ =	shalt  }
0x3e: {  	_ =	shalt  }
0x3f: {  	_ =	shalt  }
0x40: {  	_ =	shalt  }
0x41: {  	_ =	shalt  }
0x42: {  	_ =	shalt  }
0x43: {  	_ =	shalt  }
0x44: {  	_ =	shalt  }
0x45: {  	_ =	shalt  }
0x46: {  	_ =	shalt  }
0x47: {  	_ =	shalt  }
0x48: {  	_ =	shalt  }
0x49: {  	_ =	shalt  }
0x4a: {  	_ =	shalt  }
0x4b: {  	_ =	shalt  }
0x4c: {  	_ =	shalt  }
0x4d: {  	_ =	shalt  }
0x4e: {  	_ =	shalt  }
0x4f: {  	_ =	shalt  }
0x50: {  	_ =	shalt  }
0x51: {  	_ =	shalt  }
0x52: {  	_ =	shalt  }
0x53: {  	_ =	shalt  }
0x54: {  	_ =	shalt  }
0x55: {  	_ =	shalt  }
0x56: {  	_ =	shalt  }
0x57: {  	_ =	shalt  }
0x58: {  	_ =	shalt  }
0x59: {  	_ =	shalt  }
0x5a: {  	_ =	shalt  }
0x5b: {  	_ =	shalt  }
0x5c: {  	_ =	shalt  }
0x5d: {  	_ =	shalt  }
0x5e: {  	_ =	shalt  }
0x5f: {  	_ =	shalt  }
0x60: {  	_ =	shalt  }
0x61: {  	_ =	shalt  }
0x62: {  	_ =	shalt  }
0x63: {  	_ =	shalt  }
0x64: {  	_ =	shalt  }
0x65: {  	_ =	shalt  }
0x66: {  	_ =	shalt  }
0x67: {  	_ =	shalt  }
0x68: {  	_ =	shalt  }
0x69: {  	_ =	shalt  }
0x6a: {  	_ =	shalt  }
0x6b: {  	_ =	shalt  }
0x6c: {  	_ =	shalt  }
0x6d: {  	_ =	shalt  }
0x6e: {  	_ =	shalt  }
0x6f: {  	_ =	shalt  }
0x70: {  	_ =	shalt  }
0x71: {  	_ =	shalt  }
0x72: {  	_ =	shalt  }
0x73: {  	_ =	shalt  }
0x74: {  	_ =	shalt  }
0x75: {  	_ =	shalt  }
0x76: {  	_ =	shalt  }
0x77: {  	_ =	shalt  }
0x78: {  	_ =	shalt  }
0x79: {  	_ =	shalt  }
0x7a: {  	_ =	shalt  }
0x7b: {  	_ =	shalt  }
0x7c: {  	_ =	shalt  }
0x7d: {  	_ =	shalt  }
0x7e: {  	_ =	shalt  }
0x7f: {  	_ =	shalt  }
0x80: {  	_ =	shalt  }
0x81: {  	_ =	shalt  }
0x82: {  	_ =	shalt  }
0x83: {  	_ =	shalt  }
0x84: {  	_ =	shalt  }
0x85: {  	_ =	shalt  }
0x86: {  	_ =	shalt  }
0x87: {  	_ =	shalt  }
.Lfunc_end0:
.L_simem_size_0:
called_computation_lowered:
.L_overlay_start_0:
0x88: {  	s2 =	sld [smem:$0x3FD9]  }
0x89: {  	s3 =	sld [smem:$0x3FFE];
	_ =	sdelay $0x1  }
0x8a: {  	s1 =	srdreg.scid  }
0x8b: {  	s0 =	sand.u32 $0x1, s1  }
0x8c: {  	s18 =	sshll.u32 s0, $0xA;
	s2 =	sadd.s32 s3, s2  }
0x8d: {  	s2 =	sadd.s32 s2, s18  }
0x8e: {  	[smem:$0x3FC5] =	sst s2  }
0x8f: {  	_ = 	snop  }
0x90: {  	s2 =	sld [smem:$0x3FC9]  }
0x91: {  	s19 =	sld [smem:$0x3FC8]  }
0x92: {  	s4 =	sld [smem:$0x3FC7]  }
0x93: {  	s5 =	sld [smem:$0x3FD0];
	(tm) =	ssettm $0x1  }
0x94: {  	s6 =	sld [smem:$0x3FFB];
	_ =	sdelay $0x3  }
0x95: {  	_ =	strace s6  }
0x96: {  	s6 =	sld [smem:$0x3FFC];
	_ =	sdelay $0x3  }
0x97: {  	_ =	strace s6  }
0x98: {  	s6 =	sld [smem:$0x3FFD];
	_ =	sdelay $0x3  }
0x99: {  	_ =	strace s6  }
0x9a: {  	_ =	strace $0x8FFFFFFF  }
0x9b: {  	s20 =	sld [smem:$0x3FDB];
	_ =	sdelay $0x1  }
0x9c: {  	s7 =	simm.s32 $_scs_section_size  }
0x9d: {  	s8 =	simm.s32 $_size__tile_overlayer_lowered;
	s9 =	simm.s32 $_tile_overlayer_lowered  }
0x9e: {  	s23 =	simm.s32 $0x1BFF;
	s22 =	sshll.u32 s9, $0x1;
	s6 =	sadd.s32 s7, s20  }
0x9f: {  	s10 =	simm.s32 $0x0;
	s21 =	sshll.u32 s8, $0x1;
	s8 =	sadd.s32 s22, s6  }
0xa0: {  	[timem:s10], [sflag:s23] =	dma.local [hbm:s8], s21  }
0xa1: {  	_ =	swait.ge [sflag:s23], s21  }
0xa2: {  	s7 =	ssub.s32 $0x0, s21;
	[sflag:s23] =	ssyncset.done $0x0  }
0xa3: {  	[sflag:s23] =	ssyncadd.s32 s7;
	_ =	sdelay $0x1  }
0xa4: {  	s24 =	simm.s32 $0x1B8B  }
0xa5: {  	_ =	swait.ge [sflag:s24], $0x1  }
0xa6: {  	[sflag:s24] =	ssyncset.done $0x0  }
0xa7: {  	s25 =	simm.s32 $0x1B8E;
	[sflag:s24] =	ssyncadd.s32 $0xFFFFFFFF  }
0xa8: {  	s26 =	simm.s32 $execute0_lowered;
	[smem:$0x3FD2] =	sst s25  }
0xa9: {  	s7 =	sshll.u32 s26, $0x1;
	_ =	strace $0x80000046;
	[dreg:$0x1] =	wrdreg $0xFFFFFFFF  }
0xaa: {  	s28 =	simm.s32 $_size_execute0_lowered;
	s6 =	sadd.s32 s6, s7;
	[dreg:$0x0] =	wrdreg $0x0  }
0xab: {  	s7 =	sshll.u32 s28, $0x1;
	[dreg:$0x2] =	wrdreg s6  }
0xac: {  	[dreg:$0x3] =	wrdreg s7  }
0xad: {  	[dreg:$0x4] =	wrdreg $0xC0  }
0xae: {  	_ =	task [dreg:s10], $0x5FFFF  }
0xaf: {  	[dreg:$0x1] =	wrdreg $0xFFFFFFFF  }
0xb0: {  	[dreg:$0x0] =	wrdreg $0x60  }
0xb1: {  	[dreg:$0x2] =	wrdreg s2  }
0xb2: {  	[dreg:$0x3] =	wrdreg s19  }
0xb3: {  	[dreg:$0x4] =	wrdreg s4  }
0xb4: {  	[dreg:$0x5] =	wrdreg s5  }
0xb5: {  	[dreg:$0x6] =	wrdreg $0x9  }
0xb6: {  	_ =	task.clear_ibuf [dreg:s10], $0x7FFFF;
	_ =	strace $0x90000046  }
0xb7: {  	s29 =	simm.s32 $0x9;
	_ =	strace $0x80000048  }
0xb8: {  	_ =	swait.ge [sflag:s29], $0x1  }
0xb9: {  	[sflag:s29] =	ssyncadd.s32 $0xFFFFFFFF  }
0xba: {  	_ =	strace $0x90000048  }
0xbb: {  	_ =	sfence  }
0xbc: {  	s30 =	sld [smem:$0x0];
	_ =	sdelay $0x2  }
0xbd: {  	s31 =	sshll.u32 s1, $0xD;
	s1 =	sshrl.u32 s1, $0x2  }
0xbe: {  	s3 =	sand.u32 $0x4000, s31;
	s1 =	sadd.s32 s1, s30  }
0xbf: {  	s0 =	sor.u32 s3, s0;
	s1 =	sshll.u32 s1, $0x11  }
0xc0: {  	s0 =	sor.u32 s1, s0  }
0xc1: {  	s0 =	sadd.s32 $0x8F2B, s0  }
0xc2: {  	[sflag:s0] =	ssyncadd.remote.s32 $0x1  }
0xc3: {  	_ =	sfence.sel $0xFFFF  }
0xc4: {  	[dreg:$0x0] =	wrdreg $0xFFFFFFFF;
	(pc) =	sbr.abs _section_cstart, $3  }
0xc5: {  	[dreg:$0x1] =	wrdreg $0xFFFFFFFF  }
0xc6: {  	_ =	task.clear_ibuf [dreg:s10], $0x2FFFF;
	_ =	strace $0x9FFFFFFF  }
0xc7: {  	(tm) =	ssettm $0x7FFFFFFF  }
tec
execute0_lowered:
.L_overlay_start_1:
0x0: {  	(tag) =	ssettag $0x1  }
0x1: {  	s1 =	rddreg [dreg:$0x0]  }
0x2: {  	s4 =	rddreg [dreg:$0x1]  }
0x3: {  	s5 =	rddreg [dreg:$0x2]  }
0x4: {  	s6 =	rddreg [dreg:$0x3];
	s3 =	srdreg.scid  }
0x5: {  	s2 =	stileid.u32;
	s0 =	rddreg [dreg:$0x4];
	s10 =	simm.s32 $0x4E20  }
0x6: {  	s11 =	simm.s32 $0x7530;
	s7 =	sand.u32 $0x1, s3;
	s8 =	sshll.u32 s2, $0x1  }
0x7: {  	s3 =	simm.s32 $0x0;
	s9 =	ssub.s32 $0x2, s7;
	s7 =	sor.u32 s7, s8  }
0x8: {  	[smem:$0x7FF] =	sst s3;
	s31 =	sshrl.u32 s9, $0x1;
	s7 =	smul.u32 $0x4E2, s7  }
0x9: {  	s12 =	simm.s32 $0x0;
	_ =	strace $0x80000047;
	s8 =	ssub.s32 s9, s31  }
0xa: {  	s9 =	simm.s32 $0x2710;
	s4 =	sadd.s32 s4, s7;
	s5 =	sadd.s32 s5, s7  }
0xb: {  	s6 =	sadd.s32 s6, s7;
	s7 =	smax.u32 s8, $0x1;
	s8 =	simm.s32 $0x1  }
.LBB2_1:
0xc: {  	[tilespmem:s3], [sflag:$0x1] =	stream.linear.gather [hbm4b:s1+s3], $0x2710, $0x38;
	[tilespmem:$0x9C40] =	vst v63  }
0xd: {  	_ =	swait.ge [sflag:s8], $0x2710  }
0xe: {  	[sflag:s8] =	ssyncset.done $0x0  }
0xf: {  	[sflag:s8] =	ssyncadd.s32 $0xFFFFD8F0  }
0x10: {  	[tilespmem:s9], [sflag:$0x1] =	stream.linear.gather [hbm4b:s4+s3], $0x2710, $0x38;
	[tilespmem:$0x9C40] =	vst v63  }
0x11: {  	_ =	swait.ge [sflag:s8], $0x2710  }
0x12: {  	[sflag:s8] =	ssyncset.done $0x0  }
0x13: {  	[sflag:s8] =	ssyncadd.s32 $0xFFFFD8F0  }
0x14: {  	[tilespmem:s10], [sflag:$0x1] =	stream.linear.gather [hbm4b:s5+s3], $0x2710, $0x38;
	[tilespmem:$0x9C40] =	vst v63  }
0x15: {  	_ =	swait.ge [sflag:s8], $0x2710  }
0x16: {  	[sflag:s8] =	ssyncset.done $0x0  }
0x17: {  	s13 =	simm.s32 $0x0;
	[sflag:s8] =	ssyncadd.s32 $0xFFFFD8F0  }
0x18: {  	v1 =	vld [tilespmem:s13+$0x2710];
	_ =	sdelay $0x6  }
0x19: {  	v0 =	vld [tilespmem:s13+$0x4E20]  }
0x1a: {  	s14 =	simm.s32 $0x10;
	s15 =	simm.s32 $0x80;
	v1 =	vld.idx.msk [tilespmem:v1+s3+$0x0], $0xffff  }
.LBB2_2:
0x1b: {  	p0 =	sne.s32 s15, $0x9C00;
	v2 =	vld [tilespmem:s14+$0x2710];
	_ =	sdelay $0x3  }
.Ltmp0:
0x1c: {  	(pc) =	sbr.rel @p0 .LBB2_2-.Ltmp0, $3  }
0x1d: {  	v1 =	vsub.f32 v1, v0;
	_ =	sdelay $0x1  }
0x1e: {  	v0 =	vld [tilespmem:s14+$0x4E20];
	[tilespmem:s13+$0x7530] =	vst v1;
	s13 =	smov.u32 s14  }
0x1f: {  	s14 =	sshra.s32 s15, $0x2;
	s15 =	sadd.s32 $0x40, s15;
	v1 =	vld.idx.msk [tilespmem:v2+s3+$0x0], $0xffff  }
0x20: {  	v2 =	vld [tilespmem:s14+$0x2710];
	_ =	sdelay $0x4  }
0x21: {  	v0 =	vsub.f32 v1, v0;
	_ =	sdelay $0x1  }
0x22: {  	v63 =	vld [tilespmem:s14+$0x4E20];
	[tilespmem:s13+$0x7530] =	vst v0  }
0x23: {  	v0 =	vld.idx.msk [tilespmem:v2+s3+$0x0], $0xffff;
	_ =	sdelay $0x4  }
0x24: {  	s12 =	sadd.s32 $0x1, s12;
	v0 =	vsub.f32 v0, v63  }
0x25: {  	p0 =	sne.s32 s12, s7  }
.Ltmp1:
0x26: {  	[tilespmem:s14+$0x7530] =	vst v0;
	(pc) =	sbr.rel @p0 .LBB2_1-.Ltmp1, $4  }
0x27: {  	[hbm4b:s6+s3] =	stream.linear.scatter [tilespmem:s11], [sflag:$0x1], $0x2710, $0x38;
	[tilespmem:$0x9C40] =	vst v63  }
0x28: {  	_ =	swait.ge [sflag:s8], $0x2710  }
0x29: {  	[sflag:s8] =	ssyncset.done $0x0  }
0x2a: {  	[sflag:s8] =	ssyncadd.s32 $0xFFFFD8F0  }
0x2b: {  	_ =	sfence.sel $0x180000  }
0x2c: {  	[bflag:$0x0] =	sbarrier.arrive $0xFFFF  }
0x2d: {  	p0 =	sne.s32 s2, $0x0;
	_ =	strace $0x90000047  }
0x2e: {  	s0 =	sadd.s32 @!p0 $0x100000, s0;
	[bflag:$0x2] =	sbarrier.arrive $0xFFFF  }
0x2f: {  	[sflag:s0] =	ssyncadd.tile.s32 @!p0 $0x1;
	_ =	shalt  }
.Lfunc_end2:
_tile_overlayer_lowered:
.L_overlay_start_2:
0x30: {  	(tag) =	ssettag $0x2  }
0x31: {  	s0 =	rddreg [dreg:$0x0];
	s2 =	stileid.u32  }
0x32: {  	s1 =	rddreg [dreg:$0x1];
	p0 =	sne.s32 s2, $0x0  }
0x33: {  	s3 =	rddreg [dreg:$0x2];
	[bflag:$0x3] =	sbarrier.arrive $0xFFFF;
	s2 =	simm.s32 @!p0 $0x1C01  }
0x34: {  	[timem:s3], [sflag:s2] =	dma.local @!p0 [hbm:s0], s1  }
0x35: {  	s0 =	simm.s32 @!p0 $0x1  }
0x36: {  	_ =	swait.ge @!p0 [sflag:s0], s1  }
0x37: {  	s1 =	ssub.s32 @!p0 $0x0, s1;
	[sflag:s0] =	ssyncset.done @!p0 $0x0  }
0x38: {  	[sflag:s0] =	ssyncadd.s32 @!p0 s1  }
0x39: {  	[bflag:$0x3] =	sbarrier.arrive $0xFFFF  }
0x3a: {  	_ =	shalt  }

</sc_bundles>
